<compile_context>
chip_gen: v7x
topology: tpu7x:2x2x1
jax: 0.10.2.dev20260603
libtpu: 0.0.44.dev20260713+nightly
codegen_flags: <defaults>
</compile_context>

<pallas_src>
import functools

import jax
import jax.numpy as jnp
from jax import lax
from jax.experimental import pallas as pl
from jax.experimental.pallas import tpu as pltpu
from jax.experimental.pallas import tpu_sc as plsc

N = 1024
L = 16


@jax.jit
def _sc_build_adj(row, col, ea):
    E = ea.shape[0]
    e_pad = ((E + L - 1) // L) * L
    info = plsc.get_sparse_core_info()
    nc, ns = info.num_cores, info.num_subcores
    nw = nc * ns
    rows_per_w = N // nw

    mesh = plsc.VectorSubcoreMesh(core_axis_name="c", subcore_axis_name="s")

    @functools.partial(
        pl.kernel,
        mesh=mesh,
        compiler_params=pltpu.CompilerParams(
            needs_layout_passes=False,
            skip_device_barrier=True,
        ),
        out_type=jax.ShapeDtypeStruct((N, N), jnp.float32),
        scratch_types=[
            pltpu.VMEM((e_pad,), jnp.int32),
            pltpu.VMEM((e_pad,), jnp.int32),
            pltpu.VMEM((e_pad,), jnp.float32),
            pltpu.VMEM((rows_per_w, N), jnp.float32),
            pltpu.SemaphoreType.DMA,
        ],
    )
    def sc_kernel(row_hbm, col_hbm, ea_hbm, a_hbm, row_v, col_v, ea_v, blk_v, sem):
        wid = lax.axis_index("s") * nc + lax.axis_index("c")
        lo = wid * rows_per_w

        if e_pad != E:
            col_v[pl.ds(e_pad - L, L)] = jnp.full((L,), N, jnp.int32)
        cp1 = pltpu.async_copy(row_hbm, row_v.at[pl.ds(0, E)], sem)
        cp2 = pltpu.async_copy(col_hbm, col_v.at[pl.ds(0, E)], sem)
        cp3 = pltpu.async_copy(ea_hbm, ea_v.at[pl.ds(0, E)], sem)

        npl = N // L

        @plsc.parallel_loop(0, rows_per_w * npl, unroll=4)
        def zero_body(i):
            blk_v[i // npl, pl.ds((i % npl) * L, L)] = jnp.zeros((L,), jnp.float32)

        cp1.wait()
        cp2.wait()
        cp3.wait()

        @plsc.parallel_loop(0, e_pad // L, unroll=2)
        def edge_body(i):
            r = row_v[pl.ds(i * L, L)]
            c = col_v[pl.ds(i * L, L)]
            w = ea_v[pl.ds(i * L, L)]
            msk = (c >= lo) & (c < lo + rows_per_w)
            plsc.store_scatter(blk_v, [c - lo, r], w, mask=msk)

        pltpu.sync_copy(blk_v, a_hbm.at[pl.ds(lo, rows_per_w)])

    return sc_kernel(row, col, ea)


def _h_body(x_ref, w_ref, h_ref):
    wb = w_ref[...].astype(jnp.bfloat16)
    for j in range(x_ref.shape[0]):
        h_ref[j] = lax.dot_general(
            x_ref[j].astype(jnp.bfloat16),
            wb,
            (((1,), (1,)), ((), ())),
            preferred_element_type=jnp.float32,
        ).astype(jnp.bfloat16)


def _tc_h(x, W):
    B, n, d_in = x.shape
    d_out = W.shape[0]
    bb = 8
    return pl.pallas_call(
        _h_body,
        grid=(B // bb,),
        in_specs=[
            pl.BlockSpec((bb, n, d_in), lambda i: (i, 0, 0)),
            pl.BlockSpec((d_out, d_in), lambda i: (0, 0)),
        ],
        out_specs=pl.BlockSpec((bb, n, d_out), lambda i: (i, 0, 0)),
        out_shape=jax.ShapeDtypeStruct((B, n, d_out), jnp.bfloat16),
    )(x, W)


def _main_body(h_ref, bias_ref, a_ref, out_ref, dinv_scr, abf_scr):
    @pl.when(pl.program_id(0) == 0)
    def _():
        a = a_ref[...]
        dinv_scr[...] = lax.rsqrt(1.0 + jnp.sum(a, axis=1, keepdims=True))
        abf_scr[...] = a.astype(jnp.bfloat16)

    dinv_col = dinv_scr[...]
    abf = abf_scr[...]
    bias = bias_ref[...]
    for j in range(h_ref.shape[0]):
        h = h_ref[j].astype(jnp.float32)
        hs = (h * dinv_col).astype(jnp.bfloat16)
        m = jnp.dot(abf, hs, preferred_element_type=jnp.float32)
        out_ref[j] = m * dinv_col + h * (dinv_col * dinv_col) + bias


@jax.jit
def _tc_gcn(x, W, bvec, a):
    B, n, d_in = x.shape
    d_out = W.shape[0]
    h = _tc_h(x, W)
    bb = 4
    return pl.pallas_call(
        _main_body,
        grid=(B // bb,),
        in_specs=[
            pl.BlockSpec((bb, n, d_out), lambda b: (b, 0, 0)),
            pl.BlockSpec((1, d_out), lambda b: (0, 0)),
            pl.BlockSpec((n, n), lambda b: (0, 0)),
        ],
        out_specs=pl.BlockSpec((bb, n, d_out), lambda b: (b, 0, 0)),
        out_shape=jax.ShapeDtypeStruct((B, n, d_out), jnp.float32),
        scratch_shapes=[
            pltpu.VMEM((n, 1), jnp.float32),
            pltpu.VMEM((n, n), jnp.bfloat16),
        ],
    )(h, bvec.reshape(1, d_out), a)


def kernel(x, W, b, edge_index, edge_attr):
    ei = edge_index.astype(jnp.int32)
    a = _sc_build_adj(ei[0], ei[1], edge_attr.astype(jnp.float32))
    return _tc_gcn(x, W, b, a)

# --- scband reference (transcript-rebuilt; emitter-appended) ---
"""Pipeline reference for scband-gcn-layer-54185307406513 (READ-ONLY COPY).

The authoritative reference and input builder live on the scoring server;
editing this copy changes nothing except your own understanding.
"""

import jax, jax.numpy as jnp
import numpy as np

N = 1024
B = 16
D_IN = 256
D_OUT = 256


def setup_inputs(seed: int = 0) -> dict:
    # Build the dense adjacency exactly as the torch module would receive it,
    # then replicate convert_adj(): edge_index = nonzero(adj), edge_attr = adj[row, col].
    rng = np.random.default_rng(0)
    mask = rng.random((N, N)) < (16.0 / N)
    np.fill_diagonal(mask, False)
    weights = rng.random((N, N)).astype(np.float32)
    adj = np.where(mask, weights, np.float32(0.0)).astype(np.float32)
    ei = np.stack(np.nonzero(adj)).astype(np.int64)  # [2, E]
    ea = adj[ei[0], ei[1]].astype(np.float32)        # [E]

    key = jax.random.key(seed)
    k1, k2, _ = jax.random.split(key, 3)
    x = jax.random.normal(k1, (B, N, D_IN), dtype=jnp.float32)
    # GCNConv linear weight [out_features, in_features] (glorot-ish scale) and zero bias
    W = jax.random.normal(k2, (D_OUT, D_IN), dtype=jnp.float32) * (1.0 / np.sqrt(D_IN))
    b = jnp.zeros((D_OUT,), dtype=jnp.float32)
    return {
        "x": x,
        "W": W,
        "b": b,
        "edge_index": jnp.asarray(ei),
        "edge_attr": jnp.asarray(ea),
    }


def reference(x, W, b, edge_index, edge_attr):
    # Faithful translation of GCN_Layer.forward with PyG GCNConv semantics
    # (symmetric gcn_norm with self-loops of weight 1, source->target aggregation).
    Bv, Nv, Dv = x.shape
    x_flat = x.reshape(Bv * Nv, Dv)
    E = edge_index.shape[1]

    # Batched edge index: repeat graph B times with per-sample node offsets
    offsets = jnp.arange(Bv, dtype=edge_index.dtype) * Nv
    batch_edge_index = jnp.tile(edge_index, (1, Bv)) + jnp.repeat(offsets, E)[None, :]
    batch_edge_attr = jnp.tile(edge_attr, Bv)

    num_nodes = Bv * Nv
    # add self-loops with weight 1.0 (GCNConv default add_self_loops=True)
    loop = jnp.arange(num_nodes, dtype=batch_edge_index.dtype)
    row = jnp.concatenate([batch_edge_index[0], loop])
    col = jnp.concatenate([batch_edge_index[1], loop])
    ew = jnp.concatenate([batch_edge_attr, jnp.ones((num_nodes,), dtype=batch_edge_attr.dtype)])

    # symmetric normalization: deg computed by scatter-add of edge weight at target
    deg = jnp.zeros((num_nodes,), dtype=ew.dtype).at[col].add(ew)
    dinv = jnp.where(deg > 0, jax.lax.rsqrt(deg), jnp.zeros_like(deg))
    norm = dinv[row] * ew * dinv[col]

    # linear transform then message passing (gather at source, scatter-add at target)
    h = x_flat @ W.T
    msg = norm[:, None] * h[row]
    out = jnp.zeros((num_nodes, W.shape[0]), dtype=h.dtype).at[col].add(msg)
    out = out + b
    return out.reshape(Bv, Nv, -1)

if __name__ == "__main__":
    import jax
    _d = setup_inputs()
    print(jax.jit(kernel)(*tuple(_d.values())))

</pallas_src>

<mosaic_0001>
#map = affine_map<(d0, d1) -> (0)>
#map1 = affine_map<(d0, d1) -> (0, 0)>
module attributes {stable_mosaic.version = 14 : i64} {
  func.func @sc_kernel(%arg0: i32, %arg1: i32, %arg2: memref<16302xi32, #tpu.memory_space<hbm>>, %arg3: memref<16302xi32, #tpu.memory_space<hbm>>, %arg4: memref<16302xf32, #tpu.memory_space<hbm>>, %arg5: memref<1024x1024xf32, #tpu.memory_space<hbm>>, %arg6: memref<16304xi32, #tpu.memory_space<vmem>>, %arg7: memref<16304xi32, #tpu.memory_space<vmem>>, %arg8: memref<16304xf32, #tpu.memory_space<vmem>>, %arg9: memref<32x1024xf32, #tpu.memory_space<vmem>>, %arg10: memref<!tpu.dma_semaphore, #tpu.memory_space<semaphore_mem>>) attributes {dimension_semantics = [#tpu.dimension_semantics<core_parallel>, #tpu.dimension_semantics<subcore_parallel>], iteration_bounds = array<i64: 2, 16>, scalar_prefetch = 0 : i64, scratch_operands = 5 : i64, tpu.core_type = #tpu.core_type<sc_vector_subcore>, window_params = [{transform_indices = #map}, {transform_indices = #map}, {transform_indices = #map}, {transform_indices = #map1}]} {
    %mul3A = arith.constant 2 : i32
    %mul3A_0 = arith.muli %arg1, %mul3A : i32
    %add3A = arith.addi %mul3A_0, %arg0 : i32
    %mul3A_1 = arith.constant 32 : i32
    %mul3A_2 = arith.muli %add3A, %mul3A_1 : i32
    %broadcast_in_dim3A = arith.constant 1024 : i32
    %broadcast_in_dim3A_3 = vector.broadcast %broadcast_in_dim3A : i32 to vector<16xi32>
    %swap3A = arith.constant 16288 : index
    %swap3A_4 = tpu.vector_load %arg7[%swap3A] {strides = array<i32>} : memref<16304xi32, #tpu.memory_space<vmem>>, vector<16xi32>,
    tpu.vector_store %arg7[%swap3A], %broadcast_in_dim3A_3 {strides = array<i32>} : memref<16304xi32, #tpu.memory_space<vmem>>, vector<16xi32>,
    %dma_start3A = arith.constant 0 : i32
    %dma_start3A_5 = tpu.memref_slice %arg6[%dma_start3A] : memref<16304xi32, #tpu.memory_space<vmem>> -> memref<16302xi32, #tpu.memory_space<vmem>>
    %dma_start3A_6 = arith.constant 0 : i32
    %dma_start3A_7 = tpu.memref_slice %arg6[%dma_start3A_6] : memref<16304xi32, #tpu.memory_space<vmem>> -> memref<16302xi32, #tpu.memory_space<vmem>>
    tpu.enqueue_dma source(%arg2 : memref<16302xi32, #tpu.memory_space<hbm>>) target(%dma_start3A_7 : memref<16302xi32, #tpu.memory_space<vmem>>) target_semaphore(%arg10 : memref<!tpu.dma_semaphore, #tpu.memory_space<semaphore_mem>>)
    %dma_start3A_8 = arith.constant 0 : i32
    %dma_start3A_9 = tpu.memref_slice %arg7[%dma_start3A_8] : memref<16304xi32, #tpu.memory_space<vmem>> -> memref<16302xi32, #tpu.memory_space<vmem>>
    %dma_start3A_10 = arith.constant 0 : i32
    %dma_start3A_11 = tpu.memref_slice %arg7[%dma_start3A_10] : memref<16304xi32, #tpu.memory_space<vmem>> -> memref<16302xi32, #tpu.memory_space<vmem>>
    tpu.enqueue_dma source(%arg3 : memref<16302xi32, #tpu.memory_space<hbm>>) target(%dma_start3A_11 : memref<16302xi32, #tpu.memory_space<vmem>>) target_semaphore(%arg10 : memref<!tpu.dma_semaphore, #tpu.memory_space<semaphore_mem>>)
    %dma_start3A_12 = arith.constant 0 : i32
    %dma_start3A_13 = tpu.memref_slice %arg8[%dma_start3A_12] : memref<16304xf32, #tpu.memory_space<vmem>> -> memref<16302xf32, #tpu.memory_space<vmem>>
    %dma_start3A_14 = arith.constant 0 : i32
    %dma_start3A_15 = tpu.memref_slice %arg8[%dma_start3A_14] : memref<16304xf32, #tpu.memory_space<vmem>> -> memref<16302xf32, #tpu.memory_space<vmem>>
    tpu.enqueue_dma source(%arg4 : memref<16302xf32, #tpu.memory_space<hbm>>) target(%dma_start3A_15 : memref<16302xf32, #tpu.memory_space<vmem>>) target_semaphore(%arg10 : memref<!tpu.dma_semaphore, #tpu.memory_space<semaphore_mem>>)
    %parallel_loop3A = arith.constant 0 : i32
    %parallel_loop3A_16 = arith.constant 2048 : i32
    %parallel_loop3A_17 = arith.constant 1 : i32
    scf.for %parallel_loop3A_32 = %parallel_loop3A to %parallel_loop3A_16 step %parallel_loop3A_17  : i32 {
      %parallel_loop3A_33 = arith.constant 0.000000e+00 : f32
      %parallel_loop3A_34 = vector.broadcast %parallel_loop3A_33 : f32 to vector<16xf32>
      %parallel_loop3A_35 = arith.constant 64 : i32
      %parallel_loop3A_36 = arith.divsi %parallel_loop3A_32, %parallel_loop3A_35 : i32
      %parallel_loop3A_37 = arith.constant 0 : i32
      %parallel_loop3A_38 = arith.cmpi sgt, %parallel_loop3A_32, %parallel_loop3A_37 : i32
      %parallel_loop3A_39 = arith.extui %parallel_loop3A_38 : i1 to i32
      %parallel_loop3A_40 = arith.constant 0 : i32
      %parallel_loop3A_41 = arith.cmpi slt, %parallel_loop3A_32, %parallel_loop3A_40 : i32
      %parallel_loop3A_42 = arith.extui %parallel_loop3A_41 : i1 to i32
      %parallel_loop3A_43 = arith.subi %parallel_loop3A_39, %parallel_loop3A_42 : i32
      %parallel_loop3A_44 = arith.constant 0 : i32
      %parallel_loop3A_45 = arith.cmpi sgt, %parallel_loop3A_35, %parallel_loop3A_44 : i32
      %parallel_loop3A_46 = arith.extui %parallel_loop3A_45 : i1 to i32
      %parallel_loop3A_47 = arith.constant 0 : i32
      %parallel_loop3A_48 = arith.cmpi slt, %parallel_loop3A_35, %parallel_loop3A_47 : i32
      %parallel_loop3A_49 = arith.extui %parallel_loop3A_48 : i1 to i32
      %parallel_loop3A_50 = arith.subi %parallel_loop3A_46, %parallel_loop3A_49 : i32
      %parallel_loop3A_51 = arith.cmpi ne, %parallel_loop3A_43, %parallel_loop3A_50 : i32
      %parallel_loop3A_52 = arith.remsi %parallel_loop3A_32, %parallel_loop3A_35 : i32
      %parallel_loop3A_53 = arith.constant 0 : i32
      %parallel_loop3A_54 = arith.cmpi ne, %parallel_loop3A_52, %parallel_loop3A_53 : i32
      %parallel_loop3A_55 = arith.andi %parallel_loop3A_51, %parallel_loop3A_54 : i1
      %parallel_loop3A_56 = arith.constant 1 : i32
      %parallel_loop3A_57 = arith.subi %parallel_loop3A_36, %parallel_loop3A_56 : i32
      %parallel_loop3A_58 = arith.select %parallel_loop3A_55, %parallel_loop3A_57, %parallel_loop3A_36 : i32
      %parallel_loop3A_59 = arith.constant 64 : i32
      %parallel_loop3A_60 = arith.constant 0 : i32
      %parallel_loop3A_61 = arith.cmpi eq, %parallel_loop3A_59, %parallel_loop3A_60 : i32
      %parallel_loop3A_62 = arith.constant 1 : i32
      %parallel_loop3A_63 = arith.select %parallel_loop3A_61, %parallel_loop3A_62, %parallel_loop3A_59 : i32
      %parallel_loop3A_64 = arith.remsi %parallel_loop3A_32, %parallel_loop3A_63 : i32
      %parallel_loop3A_65 = arith.constant 0 : i32
      %parallel_loop3A_66 = arith.cmpi ne, %parallel_loop3A_64, %parallel_loop3A_65 : i32
      %parallel_loop3A_67 = arith.constant 0 : i32
      %parallel_loop3A_68 = arith.cmpi slt, %parallel_loop3A_64, %parallel_loop3A_67 : i32
      %parallel_loop3A_69 = arith.constant 0 : i32
      %parallel_loop3A_70 = arith.cmpi slt, %parallel_loop3A_63, %parallel_loop3A_69 : i32
      %parallel_loop3A_71 = arith.xori %parallel_loop3A_68, %parallel_loop3A_70 : i1
      %parallel_loop3A_72 = arith.andi %parallel_loop3A_71, %parallel_loop3A_66 : i1
      %parallel_loop3A_73 = arith.addi %parallel_loop3A_64, %parallel_loop3A_63 : i32
      %parallel_loop3A_74 = arith.select %parallel_loop3A_72, %parallel_loop3A_73, %parallel_loop3A_64 : i32
      %parallel_loop3A_75 = arith.constant 16 : i32
      %parallel_loop3A_76 = arith.muli %parallel_loop3A_74, %parallel_loop3A_75 : i32
      %parallel_loop3A_77 = arith.index_cast %parallel_loop3A_58 : i32 to index
      %parallel_loop3A_78 = arith.index_cast %parallel_loop3A_76 : i32 to index
      %parallel_loop3A_79 = tpu.vector_load %arg9[%parallel_loop3A_77, %parallel_loop3A_78] {strides = array<i32>} : memref<32x1024xf32, #tpu.memory_space<vmem>>, vector<16xf32>,
      tpu.vector_store %arg9[%parallel_loop3A_77, %parallel_loop3A_78], %parallel_loop3A_34 {strides = array<i32>} : memref<32x1024xf32, #tpu.memory_space<vmem>>, vector<16xf32>,
    } {sc.loop_unroll_factor = 4 : i64, sc.parallel_access}
    %dma_wait3A = arith.constant 0 : i32
    %dma_wait3A_18 = tpu.memref_slice %arg6[%dma_wait3A] : memref<16304xi32, #tpu.memory_space<vmem>> -> memref<16302xi32, #tpu.memory_space<vmem>>
    %dma_wait3A_19 = arith.constant 0 : i32
    %dma_wait3A_20 = tpu.memref_slice %arg6[%dma_wait3A_19] : memref<16304xi32, #tpu.memory_space<vmem>> -> memref<16302xi32, #tpu.memory_space<vmem>>
    tpu.wait_dma2 semaphore(%arg10 : memref<!tpu.dma_semaphore, #tpu.memory_space<semaphore_mem>>) src(%arg2 : memref<16302xi32, #tpu.memory_space<hbm>>) dst(%dma_wait3A_20 : memref<16302xi32, #tpu.memory_space<vmem>>)
    %dma_wait3A_21 = arith.constant 0 : i32
    %dma_wait3A_22 = tpu.memref_slice %arg7[%dma_wait3A_21] : memref<16304xi32, #tpu.memory_space<vmem>> -> memref<16302xi32, #tpu.memory_space<vmem>>
    %dma_wait3A_23 = arith.constant 0 : i32
    %dma_wait3A_24 = tpu.memref_slice %arg7[%dma_wait3A_23] : memref<16304xi32, #tpu.memory_space<vmem>> -> memref<16302xi32, #tpu.memory_space<vmem>>
    tpu.wait_dma2 semaphore(%arg10 : memref<!tpu.dma_semaphore, #tpu.memory_space<semaphore_mem>>) src(%arg3 : memref<16302xi32, #tpu.memory_space<hbm>>) dst(%dma_wait3A_24 : memref<16302xi32, #tpu.memory_space<vmem>>)
    %dma_wait3A_25 = arith.constant 0 : i32
    %dma_wait3A_26 = tpu.memref_slice %arg8[%dma_wait3A_25] : memref<16304xf32, #tpu.memory_space<vmem>> -> memref<16302xf32, #tpu.memory_space<vmem>>
    %dma_wait3A_27 = arith.constant 0 : i32
    %dma_wait3A_28 = tpu.memref_slice %arg8[%dma_wait3A_27] : memref<16304xf32, #tpu.memory_space<vmem>> -> memref<16302xf32, #tpu.memory_space<vmem>>
    tpu.wait_dma2 semaphore(%arg10 : memref<!tpu.dma_semaphore, #tpu.memory_space<semaphore_mem>>) src(%arg4 : memref<16302xf32, #tpu.memory_space<hbm>>) dst(%dma_wait3A_28 : memref<16302xf32, #tpu.memory_space<vmem>>)
    %parallel_loop3A_29 = arith.constant 0 : i32
    %parallel_loop3A_30 = arith.constant 1019 : i32
    %parallel_loop3A_31 = arith.constant 1 : i32
    scf.for %parallel_loop3A_32 = %parallel_loop3A_29 to %parallel_loop3A_30 step %parallel_loop3A_31  : i32 {
      %parallel_loop3A_33 = arith.constant 16 : i32
      %parallel_loop3A_34 = arith.muli %parallel_loop3A_32, %parallel_loop3A_33 : i32
      %parallel_loop3A_35 = arith.index_cast %parallel_loop3A_34 : i32 to index
      %parallel_loop3A_36 = tpu.vector_load %arg6[%parallel_loop3A_35] {strides = array<i32>} : memref<16304xi32, #tpu.memory_space<vmem>>, vector<16xi32>,
      %parallel_loop3A_37 = arith.constant 16 : i32
      %parallel_loop3A_38 = arith.muli %parallel_loop3A_32, %parallel_loop3A_37 : i32
      %parallel_loop3A_39 = arith.index_cast %parallel_loop3A_38 : i32 to index
      %parallel_loop3A_40 = tpu.vector_load %arg7[%parallel_loop3A_39] {strides = array<i32>} : memref<16304xi32, #tpu.memory_space<vmem>>, vector<16xi32>,
      %parallel_loop3A_41 = arith.constant 16 : i32
      %parallel_loop3A_42 = arith.muli %parallel_loop3A_32, %parallel_loop3A_41 : i32
      %parallel_loop3A_43 = arith.index_cast %parallel_loop3A_42 : i32 to index
      %parallel_loop3A_44 = tpu.vector_load %arg8[%parallel_loop3A_43] {strides = array<i32>} : memref<16304xf32, #tpu.memory_space<vmem>>, vector<16xf32>,
      %parallel_loop3A_45 = vector.broadcast %mul3A_2 : i32 to vector<16xi32>
      %parallel_loop3A_46 = arith.cmpi sge, %parallel_loop3A_40, %parallel_loop3A_45 : vector<16xi32>
      %parallel_loop3A_47 = arith.constant 32 : i32
      %parallel_loop3A_48 = arith.addi %mul3A_2, %parallel_loop3A_47 : i32
      %parallel_loop3A_49 = vector.broadcast %parallel_loop3A_48 : i32 to vector<16xi32>
      %parallel_loop3A_50 = arith.cmpi slt, %parallel_loop3A_40, %parallel_loop3A_49 : vector<16xi32>
      %parallel_loop3A_51 = arith.andi %parallel_loop3A_46, %parallel_loop3A_50 : vector<16xi1>
      %parallel_loop3A_52 = vector.broadcast %mul3A_2 : i32 to vector<16xi32>
      %parallel_loop3A_53 = arith.subi %parallel_loop3A_40, %parallel_loop3A_52 : vector<16xi32>
      tpu.vector_store_idx %arg9[%parallel_loop3A_53, %parallel_loop3A_36], %parallel_loop3A_44 masked %parallel_loop3A_51 : memref<32x1024xf32, #tpu.memory_space<vmem>>[vector<16xi32>, vector<16xi32>], vector<16xf32>, vector<16xi1>
    } {sc.loop_unroll_factor = 2 : i64, sc.parallel_access}
    "tpu.region"() ({
      %run_scoped3A = tpu.sem_alloc : memref<!tpu.dma_semaphore, #tpu.memory_space<semaphore_mem>>
      %dma_start3A_32 = arith.constant 0 : i32
      %dma_start3A_33 = tpu.memref_slice %arg5[%mul3A_2, %dma_start3A_32] : memref<1024x1024xf32, #tpu.memory_space<hbm>> -> memref<32x1024xf32, #tpu.memory_space<hbm>>
      %dma_start3A_34 = arith.constant 0 : i32
      %dma_start3A_35 = tpu.memref_slice %arg5[%mul3A_2, %dma_start3A_34] : memref<1024x1024xf32, #tpu.memory_space<hbm>> -> memref<32x1024xf32, #tpu.memory_space<hbm>>
      tpu.enqueue_dma source(%arg9 : memref<32x1024xf32, #tpu.memory_space<vmem>>) target(%dma_start3A_35 : memref<32x1024xf32, #tpu.memory_space<hbm>>) target_semaphore(%run_scoped3A : memref<!tpu.dma_semaphore, #tpu.memory_space<semaphore_mem>>)
      %dma_wait3A_36 = arith.constant 0 : i32
      %dma_wait3A_37 = tpu.memref_slice %arg5[%mul3A_2, %dma_wait3A_36] : memref<1024x1024xf32, #tpu.memory_space<hbm>> -> memref<32x1024xf32, #tpu.memory_space<hbm>>
      %dma_wait3A_38 = arith.constant 0 : i32
      %dma_wait3A_39 = tpu.memref_slice %arg5[%mul3A_2, %dma_wait3A_38] : memref<1024x1024xf32, #tpu.memory_space<hbm>> -> memref<32x1024xf32, #tpu.memory_space<hbm>>
      tpu.wait_dma2 semaphore(%run_scoped3A : memref<!tpu.dma_semaphore, #tpu.memory_space<semaphore_mem>>) src(%arg9 : memref<32x1024xf32, #tpu.memory_space<vmem>>) dst(%dma_wait3A_39 : memref<32x1024xf32, #tpu.memory_space<hbm>>)
      tpu.yield
    }) : () -> ()
    return
  }
}

</mosaic_0001>

<sc_bundles>
// kernel: _sc_build_adj.3.cloned.1.call-start
scs
__scs_entry_jumppad:
0x0: {  	(pc) =	sbr.rel $0x88, $3  }
0x1: {  	(tag) =	ssettag $0x0;
	lr =	simm.s32 $0x1  }
0x2: {  	[smem:$0x3F9E] =	sst lr;
	_ =	strace $0xD0000000  }
0x3: {  	_ = 	snop  }
0x4: {  	_ = 	snop  }
0x5: {  	_ = 	snop  }
0x6: {  	_ = 	snop  }
0x7: {  	_ = 	snop  }
__scs_overlays_trampoline_lowered:
0x8: {  	[smem:$0x3FAD] =	sst s0  }
0x9: {  	[smem:$0x3FAE] =	sst s1  }
0xa: {  	[smem:$0x3FAF] =	sst s2  }
0xb: {  	[smem:$0x3FB0] =	sst s3  }
0xc: {  	[smem:$0x3FB1] =	sst s4  }
0xd: {  	[smem:$0x3FB2] =	sst s5  }
0xe: {  	[smem:$0x3FB3] =	sst s6  }
0xf: {  	[smem:$0x3FB4] =	sst s7  }
0x10: {  	[smem:$0x3FB5] =	sst s8  }
0x11: {  	[smem:$0x3FB6] =	sst s9;
	s0 =	simm.s32 @!p0 $0x0  }
0x12: {  	s1 =	sld [smem:$0x3F9C];
	s0 =	simm.s32 @p0 $0x1  }
0x13: {  	[smem:$0x3FB7] =	sst s0;
	s0 =	simm.s32 @!p1 $0x0  }
0x14: {  	s2 =	sld [smem:$0x3F9B];
	s0 =	simm.s32 @p1 $0x1  }
0x15: {  	[smem:$0x3FB8] =	sst s0;
	s0 =	simm.s32 @!p2 $0x0  }
0x16: {  	s3 =	sld [smem:$0x3FDB];
	s0 =	simm.s32 @p2 $0x1  }
0x17: {  	s4 =	simm.s32 $0x1BF5;
	[smem:$0x3FBA] =	sst s0  }
0x18: {  	s0 =	sld [smem:$0x3F9D];
	_ =	swait.ge [sflag:s4], $0x0  }
0x19: {  	s7 =	sld [smem:$0x3F9E]  }
0x1a: {  	s8 =	sadd.s32 $0xFFFFE003, lr  }
0x1b: {  	s9 =	sadd.s32 $0xFFFFFEF7, lr;
	s5 =	simm.s32 $0xFFFFFFFF;
	p2 =	slt.u32 s8, $0xFFFFF086  }
0x1c: {  	p1 =	slt.u32 s9, $0xF7A;
	s5 =	simm.s32 @!p2 $0x0  }
0x1d: {  	s5 =	simm.s32 @p1 $0x1;
	p0 =	seq.s32 s7, s2  }
0x1e: {  	s7 =	smul.u32 @!p0 $0xF7A, s2;
	p2 =	seq.s32 @!p0 s5, $0x0  }
0x1f: {  	s9 =	smul.u32 $0xF7A, s1;
	s8 =	simm.s32 @!p0 $0x1BF5;
	p2 =	por !p2, p0  }
0x20: {  	[sflag:s8] =	ssyncset.s32 @!p0 $0xFFFFF086;
	s6 =	sadd.s32 @!p0 s3, s7;
	s7 =	simm.s32 @!p0 $0x108  }
0x21: {  	s3 =	sadd.s32 s3, s9;
	s6 =	sadd.s32 @!p0 $0x88, s6;
	s7 =	simm.s32 @p2 $0x1082  }
0x22: {  	[simem:s7], [sflag:s8] =	dma.local @!p0 [hbm:s6], $0xF7A  }
0x23: {  	s9 =	sor.u32 $0xD0000000, s2;
	s6 =	simm.s32 $0x108;
	_ =	swait.ge @!p0 [sflag:s8], $0x0  }
0x24: {  	s3 =	sadd.s32 $0x88, s3;
	s6 =	simm.s32 @!p1 $0x1082;
	[sflag:s4] =	ssyncset.s32 $0xFFFFF086  }
0x25: {  	[simem:s6], [sflag:s4] =	dma.local [hbm:s3], $0xF7A  }
0x26: {  	[smem:$0x3F9E] =	sst s1;
	(tag) =	ssettag s2;
	_ =	strace s9  }
0x27: {  	s1 =	sld [smem:$0x3FAE]  }
0x28: {  	s2 =	sld [smem:$0x3FAF]  }
0x29: {  	s4 =	sld [smem:$0x3FB1]  }
0x2a: {  	p0 =	seq.s32 s5, $0x0;
	s5 =	sld [smem:$0x3FB2]  }
0x2b: {  	s6 =	sld [smem:$0x3FB3]  }
0x2c: {  	s7 =	sld [smem:$0x3FB4]  }
0x2d: {  	s3 =	simm.s32 $0x108;
	s8 =	sld [smem:$0x3FB5]  }
0x2e: {  	s3 =	simm.s32 @!p0 $0x1082;
	s9 =	sld [smem:$0x3FB6]  }
0x2f: {  	lr =	sadd.s32 s0, s3;
	s0 =	sld [smem:$0x3FAD]  }
0x30: {  	s3 =	sld [smem:$0x3FB0]  }
0x31: {  	[smem:$0x3FB9] =	sst s10  }
0x32: {  	s10 =	sld [smem:$0x3FB7];
	_ =	sdelay $0x3  }
0x33: {  	p0 =	seq.s32 s10, $0x1;
	s10 =	sld [smem:$0x3FB9];
	_ =	sdelay $0x3  }
0x34: {  	[smem:$0x3FB9] =	sst s10  }
0x35: {  	s10 =	sld [smem:$0x3FB8];
	_ =	sdelay $0x3  }
0x36: {  	p1 =	seq.s32 s10, $0x1;
	s10 =	sld [smem:$0x3FB9];
	_ =	sdelay $0x3  }
0x37: {  	[smem:$0x3FB9] =	sst s10  }
0x38: {  	s10 =	sld [smem:$0x3FBA]  }
0x39: {  	_ = 	snop;
	(pc) =	sbr.ind lr, $3  }
0x3a: {  	_ = 	snop  }
0x3b: {  	_ = 	snop  }
0x3c: {  	p2 =	seq.s32 s10, $0x1;
	s10 =	sld [smem:$0x3FB9]  }
0x3d: {  	_ =	shalt  }
0x3e: {  	_ =	shalt  }
0x3f: {  	_ =	shalt  }
0x40: {  	_ =	shalt  }
0x41: {  	_ =	shalt  }
0x42: {  	_ =	shalt  }
0x43: {  	_ =	shalt  }
0x44: {  	_ =	shalt  }
0x45: {  	_ =	shalt  }
0x46: {  	_ =	shalt  }
0x47: {  	_ =	shalt  }
0x48: {  	_ =	shalt  }
0x49: {  	_ =	shalt  }
0x4a: {  	_ =	shalt  }
0x4b: {  	_ =	shalt  }
0x4c: {  	_ =	shalt  }
0x4d: {  	_ =	shalt  }
0x4e: {  	_ =	shalt  }
0x4f: {  	_ =	shalt  }
0x50: {  	_ =	shalt  }
0x51: {  	_ =	shalt  }
0x52: {  	_ =	shalt  }
0x53: {  	_ =	shalt  }
0x54: {  	_ =	shalt  }
0x55: {  	_ =	shalt  }
0x56: {  	_ =	shalt  }
0x57: {  	_ =	shalt  }
0x58: {  	_ =	shalt  }
0x59: {  	_ =	shalt  }
0x5a: {  	_ =	shalt  }
0x5b: {  	_ =	shalt  }
0x5c: {  	_ =	shalt  }
0x5d: {  	_ =	shalt  }
0x5e: {  	_ =	shalt  }
0x5f: {  	_ =	shalt  }
0x60: {  	_ =	shalt  }
0x61: {  	_ =	shalt  }
0x62: {  	_ =	shalt  }
0x63: {  	_ =	shalt  }
0x64: {  	_ =	shalt  }
0x65: {  	_ =	shalt  }
0x66: {  	_ =	shalt  }
0x67: {  	_ =	shalt  }
0x68: {  	_ =	shalt  }
0x69: {  	_ =	shalt  }
0x6a: {  	_ =	shalt  }
0x6b: {  	_ =	shalt  }
0x6c: {  	_ =	shalt  }
0x6d: {  	_ =	shalt  }
0x6e: {  	_ =	shalt  }
0x6f: {  	_ =	shalt  }
0x70: {  	_ =	shalt  }
0x71: {  	_ =	shalt  }
0x72: {  	_ =	shalt  }
0x73: {  	_ =	shalt  }
0x74: {  	_ =	shalt  }
0x75: {  	_ =	shalt  }
0x76: {  	_ =	shalt  }
0x77: {  	_ =	shalt  }
0x78: {  	_ =	shalt  }
0x79: {  	_ =	shalt  }
0x7a: {  	_ =	shalt  }
0x7b: {  	_ =	shalt  }
0x7c: {  	_ =	shalt  }
0x7d: {  	_ =	shalt  }
0x7e: {  	_ =	shalt  }
0x7f: {  	_ =	shalt  }
0x80: {  	_ =	shalt  }
0x81: {  	_ =	shalt  }
0x82: {  	_ =	shalt  }
0x83: {  	_ =	shalt  }
0x84: {  	_ =	shalt  }
0x85: {  	_ =	shalt  }
0x86: {  	_ =	shalt  }
0x87: {  	_ =	shalt  }
.Lfunc_end0:
.L_simem_size_0:
called_computation_lowered:
.L_overlay_start_0:
0x88: {  	s2 =	sld [smem:$0x3FD9]  }
0x89: {  	s3 =	sld [smem:$0x3FFE];
	_ =	sdelay $0x1  }
0x8a: {  	s1 =	srdreg.scid  }
0x8b: {  	s0 =	sand.u32 $0x1, s1  }
0x8c: {  	s18 =	sshll.u32 s0, $0xA;
	s2 =	sadd.s32 s3, s2  }
0x8d: {  	s2 =	sadd.s32 s2, s18  }
0x8e: {  	[smem:$0x3FC5] =	sst s2  }
0x8f: {  	_ = 	snop  }
0x90: {  	s2 =	sld [smem:$0x3FC9]  }
0x91: {  	s19 =	sld [smem:$0x3FC8]  }
0x92: {  	s4 =	sld [smem:$0x3FC7]  }
0x93: {  	s5 =	sld [smem:$0x3FD0];
	(tm) =	ssettm $0x1  }
0x94: {  	s6 =	sld [smem:$0x3FFB];
	_ =	sdelay $0x3  }
0x95: {  	_ =	strace s6  }
0x96: {  	s6 =	sld [smem:$0x3FFC];
	_ =	sdelay $0x3  }
0x97: {  	_ =	strace s6  }
0x98: {  	s6 =	sld [smem:$0x3FFD];
	_ =	sdelay $0x3  }
0x99: {  	_ =	strace s6  }
0x9a: {  	_ =	strace $0x8FFFFFFF  }
0x9b: {  	s20 =	sld [smem:$0x3FDB];
	_ =	sdelay $0x1  }
0x9c: {  	s7 =	simm.s32 $_scs_section_size  }
0x9d: {  	s8 =	simm.s32 $_size__tile_overlayer_lowered;
	s9 =	simm.s32 $_tile_overlayer_lowered  }
0x9e: {  	s23 =	simm.s32 $0x1BFF;
	s22 =	sshll.u32 s9, $0x1;
	s6 =	sadd.s32 s7, s20  }
0x9f: {  	s10 =	simm.s32 $0x0;
	s21 =	sshll.u32 s8, $0x1;
	s8 =	sadd.s32 s22, s6  }
0xa0: {  	[timem:s10], [sflag:s23] =	dma.local [hbm:s8], s21  }
0xa1: {  	_ =	swait.ge [sflag:s23], s21  }
0xa2: {  	s7 =	ssub.s32 $0x0, s21;
	[sflag:s23] =	ssyncset.done $0x0  }
0xa3: {  	[sflag:s23] =	ssyncadd.s32 s7;
	_ =	sdelay $0x1  }
0xa4: {  	s24 =	simm.s32 $0x1B8B  }
0xa5: {  	_ =	swait.ge [sflag:s24], $0x1  }
0xa6: {  	[sflag:s24] =	ssyncset.done $0x0  }
0xa7: {  	s25 =	simm.s32 $0x1B8E;
	[sflag:s24] =	ssyncadd.s32 $0xFFFFFFFF  }
0xa8: {  	s26 =	simm.s32 $execute0_lowered;
	[smem:$0x3FD2] =	sst s25  }
0xa9: {  	s7 =	sshll.u32 s26, $0x1;
	_ =	strace $0x80000046;
	[dreg:$0x1] =	wrdreg $0xFFFFFFFF  }
0xaa: {  	s28 =	simm.s32 $_size_execute0_lowered;
	s6 =	sadd.s32 s6, s7;
	[dreg:$0x0] =	wrdreg $0x0  }
0xab: {  	s7 =	sshll.u32 s28, $0x1;
	[dreg:$0x2] =	wrdreg s6  }
0xac: {  	[dreg:$0x3] =	wrdreg s7  }
0xad: {  	[dreg:$0x4] =	wrdreg $0xC0  }
0xae: {  	_ =	task [dreg:s10], $0x5FFFF  }
0xaf: {  	[dreg:$0x1] =	wrdreg $0xFFFFFFFF  }
0xb0: {  	[dreg:$0x0] =	wrdreg $0x60  }
0xb1: {  	[dreg:$0x2] =	wrdreg s2  }
0xb2: {  	[dreg:$0x3] =	wrdreg s19  }
0xb3: {  	[dreg:$0x4] =	wrdreg s4  }
0xb4: {  	[dreg:$0x5] =	wrdreg s5  }
0xb5: {  	[dreg:$0x6] =	wrdreg $0x9  }
0xb6: {  	_ =	task.clear_ibuf [dreg:s10], $0x7FFFF;
	_ =	strace $0x90000046  }
0xb7: {  	s29 =	simm.s32 $0x9;
	_ =	strace $0x80000048  }
0xb8: {  	_ =	swait.ge [sflag:s29], $0x1  }
0xb9: {  	[sflag:s29] =	ssyncadd.s32 $0xFFFFFFFF  }
0xba: {  	_ =	strace $0x90000048  }
0xbb: {  	_ =	sfence  }
0xbc: {  	s30 =	sld [smem:$0x0];
	_ =	sdelay $0x2  }
0xbd: {  	s31 =	sshll.u32 s1, $0xD;
	s1 =	sshrl.u32 s1, $0x2  }
0xbe: {  	s3 =	sand.u32 $0x4000, s31;
	s1 =	sadd.s32 s1, s30  }
0xbf: {  	s0 =	sor.u32 s3, s0;
	s1 =	sshll.u32 s1, $0x11  }
0xc0: {  	s0 =	sor.u32 s1, s0  }
0xc1: {  	s0 =	sadd.s32 $0x8F2B, s0  }
0xc2: {  	[sflag:s0] =	ssyncadd.remote.s32 $0x1  }
0xc3: {  	_ =	sfence.sel $0xFFFF  }
0xc4: {  	[dreg:$0x0] =	wrdreg $0xFFFFFFFF;
	(pc) =	sbr.abs _section_cstart, $3  }
0xc5: {  	[dreg:$0x1] =	wrdreg $0xFFFFFFFF  }
0xc6: {  	_ =	task.clear_ibuf [dreg:s10], $0x2FFFF;
	_ =	strace $0x9FFFFFFF  }
0xc7: {  	(tm) =	ssettm $0x7FFFFFFF  }
tec
execute0_lowered:
.L_overlay_start_1:
0x0: {  	(tag) =	ssettag $0x1  }
0x1: {  	s1 =	rddreg [dreg:$0x0]  }
0x2: {  	s2 =	rddreg [dreg:$0x1]  }
0x3: {  	s3 =	rddreg [dreg:$0x2]  }
0x4: {  	s6 =	rddreg [dreg:$0x3]  }
0x5: {  	s0 =	rddreg [dreg:$0x4];
	s7 =	srdreg.scid  }
0x6: {  	s5 =	simm.s32 $0x0;
	s4 =	stileid.u32;
	s12 =	simm.s32 $0x2  }
0x7: {  	s13 =	simm.s32 $0x0;
	s7 =	sand.u32 $0x1, s7;
	s9 =	sshll.u32 s4, $0x6  }
0x8: {  	[smem:$0x7FF] =	sst s5;
	s8 =	ssub.s32 $0x2, s7;
	s7 =	sshll.u32 s7, $0x5  }
0x9: {  	_ =	strace $0x80000047;
	s10 =	sshrl.u32 s8, $0x1;
	s9 =	sor.u32 s7, s9  }
0xa: {  	s30 =	ssub.s32 s8, s10;
	s31 =	sshll.u32 s9, $0x7;
	s11 =	sadd.s32 $0x20, s9  }
0xb: {  	v0 =	vmov s9;
	s8 =	simm.s32 $0x4000;
	s9 =	simm.s32 $0x8000;
	s10 =	simm.s32 $0x1  }
0xc: {  	v2 =	vimm.s32 $0x400;
	v3 =	vimm.f32 $0.0e+00;
	s6 =	sadd.s32 s6, s31;
	s7 =	smax.u32 s30, $0x1;
	v1 =	vmov s11;
	s11 =	simm.s32 $0xC000  }
.LBB2_1:
0xd: {  	[tilespmem:$0x7FA0] =	vst v2;
	s14 =	simm.s32 $0x0;
	s15 =	simm.s32 $0x0  }
0xe: {  	[tilespmem:s5], [sflag:$0x1] =	stream.linear.gather [hbm4b:s1+s5], $0x3FAE, $0x38;
	[tilespmem:$0x14000] =	vst v63  }
0xf: {  	s16 =	sand.u32 $0x1C00, s5;
	s30 =	sand.u32 $0x40, s5;
	s14 =	sand.u32 $0x6000, s14  }
0x10: {  	s31 =	simm.s32 $0x40;
	s15 =	sand.u32 $0x380, s15;
	s14 =	sor.u32 s16, s14  }
0x11: {  	[tilespmem:s8], [sflag:$0x1] =	stream.linear.gather [hbm4b:s2+s5], $0x3FAE, $0x38;
	[tilespmem:$0x14000] =	vst v63  }
0x12: {  	s17 =	simm.s32 $0x8;
	s14 =	sor.u32 s15, s14;
	s15 =	simm.s32 $0x200  }
0x13: {  	s16 =	sand.u32 $0x6000, s31;
	s14 =	sor.u32 s30, s14;
	s18 =	sand.u32 $0x1C00, s15  }
0x14: {  	[tilespmem:s9], [sflag:$0x1] =	stream.linear.gather [hbm4b:s3+s5], $0x3FAE, $0x38;
	[tilespmem:$0x14000] =	vst v63  }
0x15: {  	s17 =	sand.u32 $0x380, s17;
	s18 =	sor.u32 s18, s16;
	s16 =	simm.s32 $0x40;
	[tilespmem:s14+$0xC030] =	vst v3  }
0x16: {  	s19 =	sand.u32 $0x40, s16;
	s18 =	sor.u32 s17, s18;
	[tilespmem:s14+$0xC020] =	vst v3  }
0x17: {  	s17 =	simm.s32 $0x4;
	[tilespmem:s14+$0xC010] =	vst v3;
	s18 =	sor.u32 s19, s18  }
.LBB2_2:
0x18: {  	s17 =	sadd.s32 $0x4, s17  }
0x19: {  	s15 =	sadd.s32 $0x200, s15;
	[tilespmem:s14+$0xC000] =	vst v3;
	s14 =	smov.u32 s18;
	p0 =	slt.u32 s17, $0x7FC  }
.Ltmp0:
0x1a: {  	s18 =	sshll.u32 s17, $0x4;
	s19 =	sshll.u32 s17, $0x1;
	(pc) =	sbr.rel @p0 .LBB2_2-.Ltmp0, $4  }
0x1b: {  	s20 =	sand.u32 $0x1C00, s15;
	s18 =	sand.u32 $0x6000, s18  }
0x1c: {  	s16 =	sadd.s32 $0x40, s16;
	s19 =	sand.u32 $0x380, s19;
	s18 =	sor.u32 s20, s18;
	[tilespmem:s14+$0xC030] =	vst v3  }
0x1d: {  	s20 =	sand.u32 $0x40, s16;
	s18 =	sor.u32 s19, s18;
	[tilespmem:s14+$0xC020] =	vst v3  }
0x1e: {  	s18 =	sor.u32 s20, s18;
	[tilespmem:s14+$0xC010] =	vst v3  }
0x1f: {  	[tilespmem:s14+$0xC000] =	vst v3  }
0x20: {  	[tilespmem:s18+$0xC030] =	vst v3  }
0x21: {  	[tilespmem:s18+$0xC020] =	vst v3  }
0x22: {  	[tilespmem:s18+$0xC010] =	vst v3  }
0x23: {  	[tilespmem:s18+$0xC000] =	vst v3  }
0x24: {  	_ =	swait.ge [sflag:s10], $0x3FAE  }
0x25: {  	[sflag:s10] =	ssyncset.done $0x0  }
0x26: {  	[sflag:s10] =	ssyncadd.s32 $0xFFFFC052  }
0x27: {  	_ =	swait.ge [sflag:s10], $0x3FAE  }
0x28: {  	[sflag:s10] =	ssyncset.done $0x0  }
0x29: {  	[sflag:s10] =	ssyncadd.s32 $0xFFFFC052  }
0x2a: {  	_ =	swait.ge [sflag:s10], $0x3FAE  }
0x2b: {  	[sflag:s10] =	ssyncset.done $0x0  }
0x2c: {  	s30 =	simm.s32 $0x4010;
	[sflag:s10] =	ssyncadd.s32 $0xFFFFC052  }
0x2d: {  	s15 =	simm.s32 $0x10;
	v4 =	vld [tilespmem:s30+$0x0]  }
0x2e: {  	v5 =	vld [tilespmem:s15+$0x0];
	_ =	sdelay $0x1  }
0x2f: {  	v8 =	vld [tilespmem:s15+$0xFFFFFFF0]  }
0x30: {  	v6 =	vld [tilespmem:s30+$0xFFFFFFF0]  }
0x31: {  	v7 =	vsub.s32 v4, v0;
	vm0 =	vge.s32 v4, v0  }
0x32: {  	v9 =	vshll.u32 v5, $0x3;
	v10 =	vshll.u32 v4, $0x7;
	v7 =	vshll.u32 v7, $0xA  }
0x33: {  	s31 =	simm.s32 $0x4030;
	vm1 =	vlt.s32 v4, v1;
	v9 =	vand.u32 $0xFFFFFC00, v9;
	v7 =	vand.u32 $0xFFFFE000, v7  }
0x34: {  	s14 =	simm.s32 $0x30;
	v5 =	vand.u32 $0x7F, v5;
	v11 =	vshll.u32 v8, $0x3;
	v4 =	vadd.s32 v9, v7;
	v9 =	vld [tilespmem:s31+$0x0]  }
0x35: {  	vm2 =	vlt.s32 v6, v1;
	vm1 =	vmand vm0, vm1;
	v7 =	vand.u32 $0x380, v10;
	v10 =	vld [tilespmem:s14+$0x0]  }
0x36: {  	vm0 =	vge.s32 v6, v0;
	v4 =	vor.u32 v7, v4;
	v7 =	vsub.s32 v6, v0  }
0x37: {  	vm0 =	vmand vm0, vm2;
	v12 =	vor.u32 v5, v4;
	v4 =	vshll.u32 v7, $0xA  }
0x38: {  	s16 =	simm.s32 $0x8010;
	v5 =	vand.u32 $0xFFFFFC00, v11;
	v7 =	vshll.u32 v6, $0x7;
	v4 =	vand.u32 $0xFFFFE000, v4  }
0x39: {  	v13 =	vld [tilespmem:s16+$0x0];
	v6 =	vand.u32 $0x7F, v8;
	v4 =	vadd.s32 v5, v4;
	v5 =	vsub.s32 v9, v0  }
0x3a: {  	v11 =	vand.u32 $0x380, v7;
	v7 =	vld [tilespmem:s31+$0xFFFFFFF0];
	v8 =	vshll.u32 v10, $0x3;
	v5 =	vshll.u32 v5, $0xA  }
0x3b: {  	v11 =	vor.u32 v11, v4;
	v4 =	vld [tilespmem:s14+$0xFFFFFFF0];
	v8 =	vand.u32 $0xFFFFFC00, v8;
	v5 =	vand.u32 $0xFFFFE000, v5  }
0x3c: {  	v6 =	vor.u32 v6, v11;
	v14 =	vadd.s32 v8, v5;
	v5 =	vld [tilespmem:s16+$0xFFFFFFF0];
	_ =	sdelay $0x1  }
0x3d: {  	v11 =	vshll.u32 v9, $0x7  }
0x3e: {  	s15 =	simm.s32 $0x8030;
	vm2 =	vge.s32 v9, v0;
	vm3 =	vlt.s32 v9, v1;
	v11 =	vand.u32 $0x380, v11  }
0x3f: {  	s17 =	simm.s32 $0x4050;
	v9 =	vand.u32 $0x7F, v10;
	[tilespmem:v12+s11+$0x0] =	vst.idx.msk vm1, v13;
	vm1 =	vmand vm2, vm3;
	s16 =	simm.s32 $0x2;
	v8 =	vld [tilespmem:s15+$0x0];
	v10 =	vor.u32 v11, v14  }
.LBB2_4:
0x40: {  	v11 =	vld [tilespmem:s17+$0x0];
	s16 =	sadd.s32 $0x2, s16;
	v12 =	vsub.s32 v7, v0;
	v13 =	vshll.u32 v4, $0x3;
	v9 =	vor.u32 v9, v10;
	s14 =	sadd.s32 $0x20, s14;
	[tilespmem:v6+s11+$0x0] =	vst.idx.msk vm0, v5  }
0x41: {  	v10 =	vld [tilespmem:s14+$0x0];
	p0 =	slt.u32 s16, $0x3F8;
	v5 =	vshll.u32 v12, $0xA;
	v6 =	vand.u32 $0xFFFFFC00, v13;
	v12 =	vshll.u32 v7, $0x7  }
0x42: {  	vm0 =	vge.s32 v7, v0;
	v13 =	vld [tilespmem:s17+$0xFFFFFFF0];
	v5 =	vand.u32 $0xFFFFE000, v5;
	v12 =	vand.u32 $0x380, v12  }
0x43: {  	vm2 =	vlt.s32 v7, v1;
	v7 =	vand.u32 $0x7F, v4;
	v4 =	vld [tilespmem:s14+$0xFFFFFFF0];
	v6 =	vadd.s32 v6, v5  }
0x44: {  	vm0 =	vmand vm0, vm2;
	v5 =	vld [tilespmem:s15+$0xFFFFFFF0];
	v6 =	vor.u32 v12, v6  }
.Ltmp1:
0x45: {  	v12 =	vsub.s32 v11, v0;
	v6 =	vor.u32 v7, v6;
	[tilespmem:v9+s11+$0x0] =	vst.idx.msk vm1, v8;
	(pc) =	sbr.rel @p0 .LBB2_4-.Ltmp1, $4  }
0x46: {  	vm1 =	vge.s32 v11, v0;
	v14 =	vshll.u32 v12, $0xA;
	v8 =	vshll.u32 v10, $0x3  }
0x47: {  	v12 =	vshll.u32 v11, $0x7;
	v9 =	vand.u32 $0xFFFFE000, v14;
	v8 =	vand.u32 $0xFFFFFC00, v8;
	v7 =	vmovc v13  }
0x48: {  	s15 =	sadd.s32 $0x20, s15;
	vm2 =	vlt.s32 v11, v1;
	v12 =	vand.u32 $0x380, v12;
	v11 =	vadd.s32 v8, v9  }
0x49: {  	s17 =	sadd.s32 $0x20, s17;
	vm1 =	vmand vm1, vm2;
	v9 =	vand.u32 $0x7F, v10;
	v8 =	vld [tilespmem:s15+$0x0];
	v10 =	vor.u32 v12, v11  }
0x4a: {  	v11 =	vsub.s32 v7, v0;
	v12 =	vshll.u32 v4, $0x3  }
0x4b: {  	vm2 =	vge.s32 v7, v0;
	vm3 =	vlt.s32 v7, v1;
	v11 =	vshll.u32 v11, $0xA  }
0x4c: {  	v57 =	vshll.u32 v7, $0x7;
	v12 =	vand.u32 $0xFFFFFC00, v12;
	v11 =	vand.u32 $0xFFFFE000, v11  }
0x4d: {  	v9 =	vor.u32 v9, v10;
	v7 =	vand.u32 $0x380, v57;
	v11 =	vadd.s32 v12, v11  }
0x4e: {  	v4 =	vand.u32 $0x7F, v4;
	vm2 =	vmand vm2, vm3;
	v7 =	vor.u32 v7, v11  }
0x4f: {  	v58 =	vld [tilespmem:s15+$0xFFFFFFF0];
	v4 =	vor.u32 v4, v7;
	_ =	sdelay $0x2  }
0x50: {  	[tilespmem:v6+s11+$0x0] =	vst.idx.msk vm0, v5  }
0x51: {  	[tilespmem:v9+s11+$0x0] =	vst.idx.msk vm1, v8  }
0x52: {  	[tilespmem:v4+s11+$0x0] =	vst.idx.msk vm2, v58  }
0x53: {  	v4 =	vld [tilespmem:$0x7FA0]  }
0x54: {  	v5 =	vld [tilespmem:$0x3FA0];
	_ =	sdelay $0x3  }
0x55: {  	v59 =	vsub.s32 v4, v0  }
0x56: {  	vm14 =	vge.s32 v4, v0;
	v60 =	vshll.u32 v5, $0x3;
	v6 =	vshll.u32 v59, $0xA  }
0x57: {  	v61 =	vshll.u32 v4, $0x7;
	v7 =	vand.u32 $0xFFFFFC00, v60;
	v6 =	vand.u32 $0xFFFFE000, v6  }
0x58: {  	vm15 =	vlt.s32 v4, v1;
	v62 =	vand.u32 $0x380, v61;
	v4 =	vadd.s32 v7, v6  }
0x59: {  	v5 =	vand.u32 $0x7F, v5;
	vm0 =	vmand vm14, vm15;
	v4 =	vor.u32 v62, v4  }
0x5a: {  	v63 =	vld [tilespmem:$0xBFA0];
	v4 =	vor.u32 v5, v4;
	_ =	sdelay $0x2  }
0x5b: {  	s13 =	sadd.s32 $0x1, s13  }
0x5c: {  	p0 =	sne.s32 s13, s7  }
.Ltmp2:
0x5d: {  	[tilespmem:v4+s11+$0x0] =	vst.idx.msk vm0, v63;
	(pc) =	sbr.rel @p0 .LBB2_1-.Ltmp2, $4  }
0x5e: {  	[hbm4b:s6+s5] =	stream.linear.scatter [tilespmem:s11], [sflag:$0x2], $0x8000, $0x38;
	[tilespmem:$0x14000] =	vst v63  }
0x5f: {  	_ =	swait.ge [sflag:s12], $0x8000  }
0x60: {  	[sflag:s12] =	ssyncset.done $0x0  }
0x61: {  	[sflag:s12] =	ssyncadd.s32 $0xFFFF8000  }
0x62: {  	_ =	sfence.sel $0x180000  }
0x63: {  	[bflag:$0x0] =	sbarrier.arrive $0xFFFF  }
0x64: {  	p0 =	sne.s32 s4, $0x0;
	_ =	strace $0x90000047  }
0x65: {  	s0 =	sadd.s32 @!p0 $0x100000, s0;
	[bflag:$0x2] =	sbarrier.arrive $0xFFFF  }
0x66: {  	[sflag:s0] =	ssyncadd.tile.s32 @!p0 $0x1;
	_ =	shalt  }
.Lfunc_end2:
_tile_overlayer_lowered:
.L_overlay_start_2:
0x67: {  	(tag) =	ssettag $0x2  }
0x68: {  	s0 =	rddreg [dreg:$0x0];
	s2 =	stileid.u32  }
0x69: {  	s1 =	rddreg [dreg:$0x1];
	p0 =	sne.s32 s2, $0x0  }
0x6a: {  	s3 =	rddreg [dreg:$0x2];
	[bflag:$0x3] =	sbarrier.arrive $0xFFFF;
	s2 =	simm.s32 @!p0 $0x1C02  }
0x6b: {  	[timem:s3], [sflag:s2] =	dma.local @!p0 [hbm:s0], s1  }
0x6c: {  	s0 =	simm.s32 @!p0 $0x2  }
0x6d: {  	_ =	swait.ge @!p0 [sflag:s0], s1  }
0x6e: {  	s1 =	ssub.s32 @!p0 $0x0, s1;
	[sflag:s0] =	ssyncset.done @!p0 $0x0  }
0x6f: {  	[sflag:s0] =	ssyncadd.s32 @!p0 s1  }
0x70: {  	[bflag:$0x3] =	sbarrier.arrive $0xFFFF  }
0x71: {  	_ =	shalt  }

</sc_bundles>
